<compile_context>
chip_gen: v7x
topology: tpu7x:2x2x1
jax: 0.10.2.dev20260603
libtpu: 0.0.44.dev20260713+nightly
codegen_flags: <defaults>
</compile_context>

<pallas_src>
import functools

import jax
import jax.numpy as jnp
from jax import lax
from jax.experimental import pallas as pl
from jax.experimental.pallas import tpu as pltpu
from jax.experimental.pallas import tpu_sc as plsc

_MARGIN = 1.0
_N_NODES = 10000
_D_FEAT = 256
_N_PAIRS = 160000
_LANES = 16
_NS = 16
_PAIRS_PER_TILE = _N_PAIRS // _NS
_VECS_PER_TILE = _PAIRS_PER_TILE // _LANES
_UNROLL = 5


_ROW_BLK = 1000


def _rowsum_body(x_ref, o_ref):
    o_ref[...] = jnp.sum(x_ref[...], axis=1, keepdims=True)


def _rowsum(emb):
    return pl.pallas_call(
        _rowsum_body,
        grid=(_N_NODES // _ROW_BLK,),
        in_specs=[pl.BlockSpec((_ROW_BLK, _D_FEAT), lambda i: (i, 0))],
        out_specs=pl.BlockSpec((_ROW_BLK, 1), lambda i: (i, 0)),
        out_shape=jax.ShapeDtypeStruct((_N_NODES, 1), jnp.float32),
    )(emb)



_sc_mesh = plsc.VectorSubcoreMesh(
    core_axis_name="c", subcore_axis_name="s", num_cores=2, num_subcores=_NS)


@functools.partial(
    pl.kernel,
    out_type=jax.ShapeDtypeStruct((_LANES,), jnp.float32),
    mesh=_sc_mesh,
    compiler_params=pltpu.CompilerParams(needs_layout_passes=False),
    scratch_types=[
        pltpu.VMEM((_N_NODES,), jnp.float32),
        pltpu.VMEM((_PAIRS_PER_TILE,), jnp.int32),
        pltpu.VMEM((_LANES,), jnp.int32),
        pltpu.VMEM((_LANES,), jnp.float32),
        pltpu.VMEM((_NS * _LANES,), jnp.float32),
        pltpu.VMEM_SHARED((_NS * _LANES,), jnp.float32),
        pltpu.SemaphoreType.DMA,
        pltpu.SemaphoreType.DMA,
    ],
)
def _sc_loss(s_hbm, packed_hbm, out_hbm,
             s_v, pk_v, ng_v, res_v, parts_v, parts_sh, sem0, sem1):
    c = lax.axis_index("c")
    sid = lax.axis_index("s")

    @pl.when(c == 0)
    def _work():
        base = sid * _PAIRS_PER_TILE
        cp_s = pltpu.async_copy(s_hbm, s_v, sem0)
        cp_p = pltpu.async_copy(
            packed_hbm.at[pl.ds(base, _PAIRS_PER_TILE)], pk_v, sem1)
        cp_s.wait()
        cp_p.wait()

        def body(i, acc):
            for k in range(_UNROLL):
                pk = pk_v[pl.ds(i * (_UNROLL * _LANES) + k * _LANES, _LANES)]
                ip = lax.shift_right_logical(pk, 16)
                ic = lax.bitwise_and(pk, 0xFFFF)
                gp = plsc.load_gather(s_v, [ip])
                gc = plsc.load_gather(s_v, [ic])
                acc = acc + jnp.maximum(_MARGIN - gp + gc, 0.0)
            return acc

        acc = lax.fori_loop(0, _VECS_PER_TILE // _UNROLL, body,
                            jnp.zeros((_LANES,), jnp.float32))
        res_v[...] = acc
        pltpu.sync_copy(res_v, parts_sh.at[pl.ds(sid * _LANES, _LANES)])

    plsc.subcore_barrier()

    @pl.when((c == 0) & (sid == 0))
    def _finalize():
        cp_n = pltpu.async_copy(
            packed_hbm.at[pl.ds(_N_PAIRS, _LANES)], ng_v, sem0)
        pltpu.sync_copy(parts_sh, parts_v)
        tot = jnp.zeros((_LANES,), jnp.float32)
        for w in range(_NS):
            tot = tot + parts_v[pl.ds(w * _LANES, _LANES)]
        pos_loss = jnp.sum(tot)

        cp_n.wait()
        pkn = ng_v[...]
        ia = lax.shift_right_logical(pkn, 16)
        ib = lax.bitwise_and(pkn, 0xFFFF)
        ga = plsc.load_gather(s_v, [ia])
        gb = plsc.load_gather(s_v, [ib])
        d12 = ga - gb
        neg = jnp.maximum(d12 - _MARGIN, 0.0) + jnp.maximum(-d12 - _MARGIN, 0.0)
        valid = jnp.where(ia != ib, 1.0, 0.0).astype(jnp.float32)
        neg_loss = jnp.sum(neg * valid)
        vcnt = jnp.sum(valid)

        numer = jnp.full((_LANES,), pos_loss + neg_loss, jnp.float32)
        denom = jnp.full((_LANES,), jnp.float32(_N_PAIRS) + vcnt, jnp.float32)
        res_v[...] = numer / denom
        pltpu.sync_copy(res_v, out_hbm)


def kernel(node_embeddings, parent_child_pairs, neg_idx):
    s = _rowsum(node_embeddings).reshape(_N_NODES)
    packed = parent_child_pairs[:, 0] * 65536 + parent_child_pairs[:, 1]
    pneg = neg_idx[:, 0] * 65536 + neg_idx[:, 1]
    n_neg = neg_idx.shape[0]
    packed_all = jnp.concatenate(
        [packed, jnp.pad(pneg, (0, _LANES - n_neg))])
    out = _sc_loss(s, packed_all)
    return out[0]

# --- scband reference (transcript-rebuilt; emitter-appended) ---
"""Pipeline reference for scband-partial-ordering-constraint-33509334843747 (READ-ONLY COPY).

The authoritative reference and input builder live on the scoring server;
editing this copy changes nothing except your own understanding.
"""

import jax, jax.numpy as jnp
import numpy as np

MARGIN = 1.0
N_NODES = 10000
D_FEAT = 256
N_PAIRS = 160000
N_NEG = 5


def setup_inputs(seed: int = 0) -> dict:
    key = jax.random.key(seed)
    k1, k2, k3 = jax.random.split(key, 3)
    node_embeddings = jax.random.normal(k1, (N_NODES, D_FEAT), dtype=jnp.float32)
    parent_child_pairs = jax.random.randint(k2, (N_PAIRS, 2), 0, N_NODES, dtype=jnp.int32)
    # deterministic stand-in for python random.randint negative sampling
    neg_idx = jax.random.randint(k3, (N_NEG, 2), 0, N_NODES, dtype=jnp.int32)
    return {
        'node_embeddings': node_embeddings,
        'parent_child_pairs': parent_child_pairs,
        'neg_idx': neg_idx,
    }


def reference(node_embeddings, parent_child_pairs, neg_idx):
    # positive (hierarchical) pairs: relu(margin - sum(parent - child))
    parent_emb = jnp.take(node_embeddings, parent_child_pairs[:, 0], axis=0)
    child_emb = jnp.take(node_embeddings, parent_child_pairs[:, 1], axis=0)
    ordering_score = jnp.sum(parent_emb - child_emb, axis=1)
    pos_loss = jnp.sum(jax.nn.relu(MARGIN - ordering_score))
    num_pos = parent_child_pairs.shape[0]

    # negative pairs (deterministic sampled indices; original used python random).
    # num_neg_pairs = min(num_pairs, 5) = 5 for this scale.
    e1 = jnp.take(node_embeddings, neg_idx[:, 0], axis=0)
    e2 = jnp.take(node_embeddings, neg_idx[:, 1], axis=0)
    d12 = jnp.sum(e1 - e2, axis=1)
    d21 = -d12
    neg_loss = jax.nn.relu(d12 - MARGIN) + jax.nn.relu(d21 - MARGIN)
    valid = (neg_idx[:, 0] != neg_idx[:, 1]).astype(jnp.float32)

    total_loss = pos_loss + jnp.sum(neg_loss * valid)
    denom = jnp.asarray(num_pos, jnp.float32) + jnp.sum(valid)
    return total_loss / denom

if __name__ == "__main__":
    import jax
    _d = setup_inputs()
    print(jax.jit(kernel)(*tuple(_d.values())))

</pallas_src>

<mosaic_0001>
#map = affine_map<(d0, d1) -> (0)>
module attributes {stable_mosaic.version = 14 : i64} {
  func.func @_sc_loss(%arg0: i32, %arg1: i32, %arg2: memref<10000xf32, #tpu.memory_space<hbm>>, %arg3: memref<160016xi32, #tpu.memory_space<hbm>>, %arg4: memref<16xf32, #tpu.memory_space<hbm>>, %arg5: memref<10000xf32, #tpu.memory_space<vmem>>, %arg6: memref<10000xi32, #tpu.memory_space<vmem>>, %arg7: memref<16xi32, #tpu.memory_space<vmem>>, %arg8: memref<16xf32, #tpu.memory_space<vmem>>, %arg9: memref<256xf32, #tpu.memory_space<vmem>>, %arg10: memref<256xf32, #tpu.memory_space<vmem_shared>>, %arg11: memref<!tpu.dma_semaphore, #tpu.memory_space<semaphore_mem>>, %arg12: memref<!tpu.dma_semaphore, #tpu.memory_space<semaphore_mem>>) attributes {dimension_semantics = [#tpu.dimension_semantics<core_parallel>, #tpu.dimension_semantics<subcore_parallel>], iteration_bounds = array<i64: 2, 16>, scalar_prefetch = 0 : i64, scratch_operands = 8 : i64, tpu.core_type = #tpu.core_type<sc_vector_subcore>, window_params = [{transform_indices = #map}, {transform_indices = #map}, {transform_indices = #map}]} {
    %eq3A = arith.constant 0 : i32
    %eq3A_0 = arith.cmpi eq, %arg0, %eq3A : i32
    %convert_element_type3A = arith.extui %eq3A_0 : i1 to i32
    %cond3A = arith.constant 0 : i32
    %cond3A_1 = arith.cmpi ne, %convert_element_type3A, %cond3A : i32
    scf.if %cond3A_1 {
      %mul3A = arith.constant 10000 : i32
      %mul3A_9 = arith.muli %arg1, %mul3A : i32
      tpu.enqueue_dma source(%arg2 : memref<10000xf32, #tpu.memory_space<hbm>>) target(%arg5 : memref<10000xf32, #tpu.memory_space<vmem>>) target_semaphore(%arg11 : memref<!tpu.dma_semaphore, #tpu.memory_space<semaphore_mem>>)
      %dma_start3A = tpu.memref_slice %arg3[%mul3A_9] : memref<160016xi32, #tpu.memory_space<hbm>> -> memref<10000xi32, #tpu.memory_space<hbm>>
      %dma_start3A_10 = tpu.memref_slice %arg3[%mul3A_9] : memref<160016xi32, #tpu.memory_space<hbm>> -> memref<10000xi32, #tpu.memory_space<hbm>>
      tpu.enqueue_dma source(%dma_start3A_10 : memref<10000xi32, #tpu.memory_space<hbm>>) target(%arg6 : memref<10000xi32, #tpu.memory_space<vmem>>) target_semaphore(%arg12 : memref<!tpu.dma_semaphore, #tpu.memory_space<semaphore_mem>>)
      tpu.wait_dma2 semaphore(%arg11 : memref<!tpu.dma_semaphore, #tpu.memory_space<semaphore_mem>>) src(%arg2 : memref<10000xf32, #tpu.memory_space<hbm>>) dst(%arg5 : memref<10000xf32, #tpu.memory_space<vmem>>)
      %dma_wait3A = tpu.memref_slice %arg3[%mul3A_9] : memref<160016xi32, #tpu.memory_space<hbm>> -> memref<10000xi32, #tpu.memory_space<hbm>>
      %dma_wait3A_11 = tpu.memref_slice %arg3[%mul3A_9] : memref<160016xi32, #tpu.memory_space<hbm>> -> memref<10000xi32, #tpu.memory_space<hbm>>
      tpu.wait_dma2 semaphore(%arg12 : memref<!tpu.dma_semaphore, #tpu.memory_space<semaphore_mem>>) src(%dma_wait3A_11 : memref<10000xi32, #tpu.memory_space<hbm>>) dst(%arg6 : memref<10000xi32, #tpu.memory_space<vmem>>)
      %broadcast_in_dim3A = arith.constant 0.000000e+00 : f32
      %broadcast_in_dim3A_12 = vector.broadcast %broadcast_in_dim3A : f32 to vector<16xf32>
      %scan3A = arith.constant 0 : i32
      %scan3A_13 = arith.constant 125 : i32
      %scan3A_14 = arith.addi %scan3A, %scan3A_13 : i32
      %scan3A_15 = arith.constant 1 : i32
      %scan3A_16 = scf.for %scan3A_21 = %scan3A to %scan3A_14 step %scan3A_15 iter_args(%scan3A_22 = %broadcast_in_dim3A_12) -> (vector<16xf32>)  : i32 {
        %mul3A_23 = arith.constant 80 : i32
        %mul3A_24 = arith.muli %scan3A_21, %mul3A_23 : i32
        %add3A = arith.constant 0 : i32
        %add3A_25 = arith.addi %mul3A_24, %add3A : i32
        %get3A = arith.index_cast %add3A_25 : i32 to index
        %get3A_26 = tpu.vector_load %arg6[%get3A] {strides = array<i32>} : memref<10000xi32, #tpu.memory_space<vmem>>, vector<16xi32>,
        %shift_right_logical3A = arith.constant 16 : i32
        %shift_right_logical3A_27 = vector.broadcast %shift_right_logical3A : i32 to vector<16xi32>
        %shift_right_logical3A_28 = arith.shrui %get3A_26, %shift_right_logical3A_27 : vector<16xi32>
        %and3A_29 = arith.constant 65535 : i32
        %and3A_30 = vector.broadcast %and3A_29 : i32 to vector<16xi32>
        %and3A_31 = arith.andi %get3A_26, %and3A_30 : vector<16xi32>
        %gather3A = tpu.vector_load_idx %arg5[%shift_right_logical3A_28] : memref<10000xf32, #tpu.memory_space<vmem>>[vector<16xi32>], vector<16xf32>,
        %gather3A_32 = tpu.vector_load_idx %arg5[%and3A_31] : memref<10000xf32, #tpu.memory_space<vmem>>[vector<16xi32>], vector<16xf32>,
        %sub3A = arith.constant 1.000000e+00 : f32
        %sub3A_33 = vector.broadcast %sub3A : f32 to vector<16xf32>
        %sub3A_34 = arith.subf %sub3A_33, %gather3A : vector<16xf32>
        %add3A_35 = arith.addf %sub3A_34, %gather3A_32 : vector<16xf32>
        %max3A = arith.constant 0.000000e+00 : f32
        %max3A_36 = vector.broadcast %max3A : f32 to vector<16xf32>
        %max3A_37 = arith.maximumf %add3A_35, %max3A_36 : vector<16xf32>
        %add3A_38 = arith.addf %scan3A_22, %max3A_37 : vector<16xf32>
        %mul3A_39 = arith.constant 80 : i32
        %mul3A_40 = arith.muli %scan3A_21, %mul3A_39 : i32
        %add3A_41 = arith.constant 16 : i32
        %add3A_42 = arith.addi %mul3A_40, %add3A_41 : i32
        %get3A_43 = arith.index_cast %add3A_42 : i32 to index
        %get3A_44 = tpu.vector_load %arg6[%get3A_43] {strides = array<i32>} : memref<10000xi32, #tpu.memory_space<vmem>>, vector<16xi32>,
        %shift_right_logical3A_45 = arith.constant 16 : i32
        %shift_right_logical3A_46 = vector.broadcast %shift_right_logical3A_45 : i32 to vector<16xi32>
        %shift_right_logical3A_47 = arith.shrui %get3A_44, %shift_right_logical3A_46 : vector<16xi32>
        %and3A_48 = arith.constant 65535 : i32
        %and3A_49 = vector.broadcast %and3A_48 : i32 to vector<16xi32>
        %and3A_50 = arith.andi %get3A_44, %and3A_49 : vector<16xi32>
        %gather3A_51 = tpu.vector_load_idx %arg5[%shift_right_logical3A_47] : memref<10000xf32, #tpu.memory_space<vmem>>[vector<16xi32>], vector<16xf32>,
        %gather3A_52 = tpu.vector_load_idx %arg5[%and3A_50] : memref<10000xf32, #tpu.memory_space<vmem>>[vector<16xi32>], vector<16xf32>,
        %sub3A_53 = arith.constant 1.000000e+00 : f32
        %sub3A_54 = vector.broadcast %sub3A_53 : f32 to vector<16xf32>
        %sub3A_55 = arith.subf %sub3A_54, %gather3A_51 : vector<16xf32>
        %add3A_56 = arith.addf %sub3A_55, %gather3A_52 : vector<16xf32>
        %max3A_57 = arith.constant 0.000000e+00 : f32
        %max3A_58 = vector.broadcast %max3A_57 : f32 to vector<16xf32>
        %max3A_59 = arith.maximumf %add3A_56, %max3A_58 : vector<16xf32>
        %add3A_60 = arith.addf %add3A_38, %max3A_59 : vector<16xf32>
        %mul3A_61 = arith.constant 80 : i32
        %mul3A_62 = arith.muli %scan3A_21, %mul3A_61 : i32
        %add3A_63 = arith.constant 32 : i32
        %add3A_64 = arith.addi %mul3A_62, %add3A_63 : i32
        %get3A_65 = arith.index_cast %add3A_64 : i32 to index
        %get3A_66 = tpu.vector_load %arg6[%get3A_65] {strides = array<i32>} : memref<10000xi32, #tpu.memory_space<vmem>>, vector<16xi32>,
        %shift_right_logical3A_67 = arith.constant 16 : i32
        %shift_right_logical3A_68 = vector.broadcast %shift_right_logical3A_67 : i32 to vector<16xi32>
        %shift_right_logical3A_69 = arith.shrui %get3A_66, %shift_right_logical3A_68 : vector<16xi32>
        %and3A_70 = arith.constant 65535 : i32
        %and3A_71 = vector.broadcast %and3A_70 : i32 to vector<16xi32>
        %and3A_72 = arith.andi %get3A_66, %and3A_71 : vector<16xi32>
        %gather3A_73 = tpu.vector_load_idx %arg5[%shift_right_logical3A_69] : memref<10000xf32, #tpu.memory_space<vmem>>[vector<16xi32>], vector<16xf32>,
        %gather3A_74 = tpu.vector_load_idx %arg5[%and3A_72] : memref<10000xf32, #tpu.memory_space<vmem>>[vector<16xi32>], vector<16xf32>,
        %sub3A_75 = arith.constant 1.000000e+00 : f32
        %sub3A_76 = vector.broadcast %sub3A_75 : f32 to vector<16xf32>
        %sub3A_77 = arith.subf %sub3A_76, %gather3A_73 : vector<16xf32>
        %add3A_78 = arith.addf %sub3A_77, %gather3A_74 : vector<16xf32>
        %max3A_79 = arith.constant 0.000000e+00 : f32
        %max3A_80 = vector.broadcast %max3A_79 : f32 to vector<16xf32>
        %max3A_81 = arith.maximumf %add3A_78, %max3A_80 : vector<16xf32>
        %add3A_82 = arith.addf %add3A_60, %max3A_81 : vector<16xf32>
        %mul3A_83 = arith.constant 80 : i32
        %mul3A_84 = arith.muli %scan3A_21, %mul3A_83 : i32
        %add3A_85 = arith.constant 48 : i32
        %add3A_86 = arith.addi %mul3A_84, %add3A_85 : i32
        %get3A_87 = arith.index_cast %add3A_86 : i32 to index
        %get3A_88 = tpu.vector_load %arg6[%get3A_87] {strides = array<i32>} : memref<10000xi32, #tpu.memory_space<vmem>>, vector<16xi32>,
        %shift_right_logical3A_89 = arith.constant 16 : i32
        %shift_right_logical3A_90 = vector.broadcast %shift_right_logical3A_89 : i32 to vector<16xi32>
        %shift_right_logical3A_91 = arith.shrui %get3A_88, %shift_right_logical3A_90 : vector<16xi32>
        %and3A_92 = arith.constant 65535 : i32
        %and3A_93 = vector.broadcast %and3A_92 : i32 to vector<16xi32>
        %and3A_94 = arith.andi %get3A_88, %and3A_93 : vector<16xi32>
        %gather3A_95 = tpu.vector_load_idx %arg5[%shift_right_logical3A_91] : memref<10000xf32, #tpu.memory_space<vmem>>[vector<16xi32>], vector<16xf32>,
        %gather3A_96 = tpu.vector_load_idx %arg5[%and3A_94] : memref<10000xf32, #tpu.memory_space<vmem>>[vector<16xi32>], vector<16xf32>,
        %sub3A_97 = arith.constant 1.000000e+00 : f32
        %sub3A_98 = vector.broadcast %sub3A_97 : f32 to vector<16xf32>
        %sub3A_99 = arith.subf %sub3A_98, %gather3A_95 : vector<16xf32>
        %add3A_100 = arith.addf %sub3A_99, %gather3A_96 : vector<16xf32>
        %max3A_101 = arith.constant 0.000000e+00 : f32
        %max3A_102 = vector.broadcast %max3A_101 : f32 to vector<16xf32>
        %max3A_103 = arith.maximumf %add3A_100, %max3A_102 : vector<16xf32>
        %add3A_104 = arith.addf %add3A_82, %max3A_103 : vector<16xf32>
        %mul3A_105 = arith.constant 80 : i32
        %mul3A_106 = arith.muli %scan3A_21, %mul3A_105 : i32
        %add3A_107 = arith.constant 64 : i32
        %add3A_108 = arith.addi %mul3A_106, %add3A_107 : i32
        %get3A_109 = arith.index_cast %add3A_108 : i32 to index
        %get3A_110 = tpu.vector_load %arg6[%get3A_109] {strides = array<i32>} : memref<10000xi32, #tpu.memory_space<vmem>>, vector<16xi32>,
        %shift_right_logical3A_111 = arith.constant 16 : i32
        %shift_right_logical3A_112 = vector.broadcast %shift_right_logical3A_111 : i32 to vector<16xi32>
        %shift_right_logical3A_113 = arith.shrui %get3A_110, %shift_right_logical3A_112 : vector<16xi32>
        %and3A_114 = arith.constant 65535 : i32
        %and3A_115 = vector.broadcast %and3A_114 : i32 to vector<16xi32>
        %and3A_116 = arith.andi %get3A_110, %and3A_115 : vector<16xi32>
        %gather3A_117 = tpu.vector_load_idx %arg5[%shift_right_logical3A_113] : memref<10000xf32, #tpu.memory_space<vmem>>[vector<16xi32>], vector<16xf32>,
        %gather3A_118 = tpu.vector_load_idx %arg5[%and3A_116] : memref<10000xf32, #tpu.memory_space<vmem>>[vector<16xi32>], vector<16xf32>,
        %sub3A_119 = arith.constant 1.000000e+00 : f32
        %sub3A_120 = vector.broadcast %sub3A_119 : f32 to vector<16xf32>
        %sub3A_121 = arith.subf %sub3A_120, %gather3A_117 : vector<16xf32>
        %add3A_122 = arith.addf %sub3A_121, %gather3A_118 : vector<16xf32>
        %max3A_123 = arith.constant 0.000000e+00 : f32
        %max3A_124 = vector.broadcast %max3A_123 : f32 to vector<16xf32>
        %max3A_125 = arith.maximumf %add3A_122, %max3A_124 : vector<16xf32>
        %add3A_126 = arith.addf %add3A_104, %max3A_125 : vector<16xf32>
        scf.yield %add3A_126 : vector<16xf32>
      }
      %scan3A_17 = arith.constant 125 : i32
      %swap3A = arith.constant 0 : index
      %swap3A_18 = tpu.vector_load %arg8[%swap3A] {strides = array<i32>} : memref<16xf32, #tpu.memory_space<vmem>>, vector<16xf32>,
      tpu.vector_store %arg8[%swap3A], %scan3A_16 {strides = array<i32>} : memref<16xf32, #tpu.memory_space<vmem>>, vector<16xf32>,
      %mul3A_19 = arith.constant 16 : i32
      %mul3A_20 = arith.muli %arg1, %mul3A_19 : i32
      "tpu.region"() ({
        %run_scoped3A = tpu.sem_alloc : memref<!tpu.dma_semaphore, #tpu.memory_space<semaphore_mem>>
        %dma_start3A_21 = tpu.memref_slice %arg10[%mul3A_20] : memref<256xf32, #tpu.memory_space<vmem_shared>> -> memref<16xf32, #tpu.memory_space<vmem_shared>>
        %dma_start3A_22 = tpu.memref_slice %arg10[%mul3A_20] : memref<256xf32, #tpu.memory_space<vmem_shared>> -> memref<16xf32, #tpu.memory_space<vmem_shared>>
        tpu.enqueue_dma source(%arg8 : memref<16xf32, #tpu.memory_space<vmem>>) target(%dma_start3A_22 : memref<16xf32, #tpu.memory_space<vmem_shared>>) target_semaphore(%run_scoped3A : memref<!tpu.dma_semaphore, #tpu.memory_space<semaphore_mem>>)
        %dma_wait3A_23 = tpu.memref_slice %arg10[%mul3A_20] : memref<256xf32, #tpu.memory_space<vmem_shared>> -> memref<16xf32, #tpu.memory_space<vmem_shared>>
        %dma_wait3A_24 = tpu.memref_slice %arg10[%mul3A_20] : memref<256xf32, #tpu.memory_space<vmem_shared>> -> memref<16xf32, #tpu.memory_space<vmem_shared>>
        tpu.wait_dma2 semaphore(%run_scoped3A : memref<!tpu.dma_semaphore, #tpu.memory_space<semaphore_mem>>) src(%arg8 : memref<16xf32, #tpu.memory_space<vmem>>) dst(%dma_wait3A_24 : memref<16xf32, #tpu.memory_space<vmem_shared>>)
        tpu.yield
      }) : () -> ()
    } else {
    }
    %barrier3A = arith.constant 0 : index
    tpu.barrier barrier_id(%barrier3A)
    %eq3A_2 = arith.constant 0 : i32
    %eq3A_3 = arith.cmpi eq, %arg0, %eq3A_2 : i32
    %eq3A_4 = arith.constant 0 : i32
    %eq3A_5 = arith.cmpi eq, %arg1, %eq3A_4 : i32
    %and3A = arith.andi %eq3A_3, %eq3A_5 : i1
    %convert_element_type3A_6 = arith.extui %and3A : i1 to i32
    %cond3A_7 = arith.constant 0 : i32
    %cond3A_8 = arith.cmpi ne, %convert_element_type3A_6, %cond3A_7 : i32
    scf.if %cond3A_8 {
      %dma_start3A = arith.constant 160000 : i32
      %dma_start3A_9 = tpu.memref_slice %arg3[%dma_start3A] : memref<160016xi32, #tpu.memory_space<hbm>> -> memref<16xi32, #tpu.memory_space<hbm>>
      %dma_start3A_10 = arith.constant 160000 : i32
      %dma_start3A_11 = tpu.memref_slice %arg3[%dma_start3A_10] : memref<160016xi32, #tpu.memory_space<hbm>> -> memref<16xi32, #tpu.memory_space<hbm>>
      tpu.enqueue_dma source(%dma_start3A_11 : memref<16xi32, #tpu.memory_space<hbm>>) target(%arg7 : memref<16xi32, #tpu.memory_space<vmem>>) target_semaphore(%arg11 : memref<!tpu.dma_semaphore, #tpu.memory_space<semaphore_mem>>)
      "tpu.region"() ({
        %run_scoped3A = tpu.sem_alloc : memref<!tpu.dma_semaphore, #tpu.memory_space<semaphore_mem>>
        tpu.enqueue_dma source(%arg10 : memref<256xf32, #tpu.memory_space<vmem_shared>>) target(%arg9 : memref<256xf32, #tpu.memory_space<vmem>>) target_semaphore(%run_scoped3A : memref<!tpu.dma_semaphore, #tpu.memory_space<semaphore_mem>>)
        tpu.wait_dma2 semaphore(%run_scoped3A : memref<!tpu.dma_semaphore, #tpu.memory_space<semaphore_mem>>) src(%arg10 : memref<256xf32, #tpu.memory_space<vmem_shared>>) dst(%arg9 : memref<256xf32, #tpu.memory_space<vmem>>)
        tpu.yield
      }) : () -> ()
      %broadcast_in_dim3A = arith.constant 0.000000e+00 : f32
      %broadcast_in_dim3A_12 = vector.broadcast %broadcast_in_dim3A : f32 to vector<16xf32>
      %get3A = arith.constant 0 : index
      %get3A_13 = tpu.vector_load %arg9[%get3A] {strides = array<i32>} : memref<256xf32, #tpu.memory_space<vmem>>, vector<16xf32>,
      %add3A = arith.addf %broadcast_in_dim3A_12, %get3A_13 : vector<16xf32>
      %get3A_14 = arith.constant 16 : index
      %get3A_15 = tpu.vector_load %arg9[%get3A_14] {strides = array<i32>} : memref<256xf32, #tpu.memory_space<vmem>>, vector<16xf32>,
      %add3A_16 = arith.addf %add3A, %get3A_15 : vector<16xf32>
      %get3A_17 = arith.constant 32 : index
      %get3A_18 = tpu.vector_load %arg9[%get3A_17] {strides = array<i32>} : memref<256xf32, #tpu.memory_space<vmem>>, vector<16xf32>,
      %add3A_19 = arith.addf %add3A_16, %get3A_18 : vector<16xf32>
      %get3A_20 = arith.constant 48 : index
      %get3A_21 = tpu.vector_load %arg9[%get3A_20] {strides = array<i32>} : memref<256xf32, #tpu.memory_space<vmem>>, vector<16xf32>,
      %add3A_22 = arith.addf %add3A_19, %get3A_21 : vector<16xf32>
      %get3A_23 = arith.constant 64 : index
      %get3A_24 = tpu.vector_load %arg9[%get3A_23] {strides = array<i32>} : memref<256xf32, #tpu.memory_space<vmem>>, vector<16xf32>,
      %add3A_25 = arith.addf %add3A_22, %get3A_24 : vector<16xf32>
      %get3A_26 = arith.constant 80 : index
      %get3A_27 = tpu.vector_load %arg9[%get3A_26] {strides = array<i32>} : memref<256xf32, #tpu.memory_space<vmem>>, vector<16xf32>,
      %add3A_28 = arith.addf %add3A_25, %get3A_27 : vector<16xf32>
      %get3A_29 = arith.constant 96 : index
      %get3A_30 = tpu.vector_load %arg9[%get3A_29] {strides = array<i32>} : memref<256xf32, #tpu.memory_space<vmem>>, vector<16xf32>,
      %add3A_31 = arith.addf %add3A_28, %get3A_30 : vector<16xf32>
      %get3A_32 = arith.constant 112 : index
      %get3A_33 = tpu.vector_load %arg9[%get3A_32] {strides = array<i32>} : memref<256xf32, #tpu.memory_space<vmem>>, vector<16xf32>,
      %add3A_34 = arith.addf %add3A_31, %get3A_33 : vector<16xf32>
      %get3A_35 = arith.constant 128 : index
      %get3A_36 = tpu.vector_load %arg9[%get3A_35] {strides = array<i32>} : memref<256xf32, #tpu.memory_space<vmem>>, vector<16xf32>,
      %add3A_37 = arith.addf %add3A_34, %get3A_36 : vector<16xf32>
      %get3A_38 = arith.constant 144 : index
      %get3A_39 = tpu.vector_load %arg9[%get3A_38] {strides = array<i32>} : memref<256xf32, #tpu.memory_space<vmem>>, vector<16xf32>,
      %add3A_40 = arith.addf %add3A_37, %get3A_39 : vector<16xf32>
      %get3A_41 = arith.constant 160 : index
      %get3A_42 = tpu.vector_load %arg9[%get3A_41] {strides = array<i32>} : memref<256xf32, #tpu.memory_space<vmem>>, vector<16xf32>,
      %add3A_43 = arith.addf %add3A_40, %get3A_42 : vector<16xf32>
      %get3A_44 = arith.constant 176 : index
      %get3A_45 = tpu.vector_load %arg9[%get3A_44] {strides = array<i32>} : memref<256xf32, #tpu.memory_space<vmem>>, vector<16xf32>,
      %add3A_46 = arith.addf %add3A_43, %get3A_45 : vector<16xf32>
      %get3A_47 = arith.constant 192 : index
      %get3A_48 = tpu.vector_load %arg9[%get3A_47] {strides = array<i32>} : memref<256xf32, #tpu.memory_space<vmem>>, vector<16xf32>,
      %add3A_49 = arith.addf %add3A_46, %get3A_48 : vector<16xf32>
      %get3A_50 = arith.constant 208 : index
      %get3A_51 = tpu.vector_load %arg9[%get3A_50] {strides = array<i32>} : memref<256xf32, #tpu.memory_space<vmem>>, vector<16xf32>,
      %add3A_52 = arith.addf %add3A_49, %get3A_51 : vector<16xf32>
      %get3A_53 = arith.constant 224 : index
      %get3A_54 = tpu.vector_load %arg9[%get3A_53] {strides = array<i32>} : memref<256xf32, #tpu.memory_space<vmem>>, vector<16xf32>,
      %add3A_55 = arith.addf %add3A_52, %get3A_54 : vector<16xf32>
      %get3A_56 = arith.constant 240 : index
      %get3A_57 = tpu.vector_load %arg9[%get3A_56] {strides = array<i32>} : memref<256xf32, #tpu.memory_space<vmem>>, vector<16xf32>,
      %add3A_58 = arith.addf %add3A_55, %get3A_57 : vector<16xf32>
      %reduce_sum3A = arith.constant true
      %reduce_sum3A_59 = vector.broadcast %reduce_sum3A : i1 to vector<16xi1>
      %reduce_sum3A_60 = tpu.scan <sum>, %add3A_58 masked %reduce_sum3A_59 : vector<16xf32>, vector<16xi1> -> vector<16xf32>
      %reduce_sum3A_61 = vector.extract %reduce_sum3A_60[15] : f32 from vector<16xf32>
      %dma_wait3A = arith.constant 160000 : i32
      %dma_wait3A_62 = tpu.memref_slice %arg3[%dma_wait3A] : memref<160016xi32, #tpu.memory_space<hbm>> -> memref<16xi32, #tpu.memory_space<hbm>>
      %dma_wait3A_63 = arith.constant 160000 : i32
      %dma_wait3A_64 = tpu.memref_slice %arg3[%dma_wait3A_63] : memref<160016xi32, #tpu.memory_space<hbm>> -> memref<16xi32, #tpu.memory_space<hbm>>
      tpu.wait_dma2 semaphore(%arg11 : memref<!tpu.dma_semaphore, #tpu.memory_space<semaphore_mem>>) src(%dma_wait3A_64 : memref<16xi32, #tpu.memory_space<hbm>>) dst(%arg7 : memref<16xi32, #tpu.memory_space<vmem>>)
      %get3A_65 = arith.constant 0 : index
      %get3A_66 = tpu.vector_load %arg7[%get3A_65] {strides = array<i32>} : memref<16xi32, #tpu.memory_space<vmem>>, vector<16xi32>,
      %shift_right_logical3A = arith.constant 16 : i32
      %shift_right_logical3A_67 = vector.broadcast %shift_right_logical3A : i32 to vector<16xi32>
      %shift_right_logical3A_68 = arith.shrui %get3A_66, %shift_right_logical3A_67 : vector<16xi32>
      %and3A_69 = arith.constant 65535 : i32
      %and3A_70 = vector.broadcast %and3A_69 : i32 to vector<16xi32>
      %and3A_71 = arith.andi %get3A_66, %and3A_70 : vector<16xi32>
      %gather3A = tpu.vector_load_idx %arg5[%shift_right_logical3A_68] : memref<10000xf32, #tpu.memory_space<vmem>>[vector<16xi32>], vector<16xf32>,
      %gather3A_72 = tpu.vector_load_idx %arg5[%and3A_71] : memref<10000xf32, #tpu.memory_space<vmem>>[vector<16xi32>], vector<16xf32>,
      %sub3A = arith.subf %gather3A, %gather3A_72 : vector<16xf32>
      %sub3A_73 = arith.constant 1.000000e+00 : f32
      %sub3A_74 = vector.broadcast %sub3A_73 : f32 to vector<16xf32>
      %sub3A_75 = arith.subf %sub3A, %sub3A_74 : vector<16xf32>
      %max3A = arith.constant 0.000000e+00 : f32
      %max3A_76 = vector.broadcast %max3A : f32 to vector<16xf32>
      %max3A_77 = arith.maximumf %sub3A_75, %max3A_76 : vector<16xf32>
      %neg3A = arith.constant 0.000000e+00 : f32
      %neg3A_78 = vector.broadcast %neg3A : f32 to vector<16xf32>
      %neg3A_79 = arith.subf %neg3A_78, %sub3A : vector<16xf32>
      %sub3A_80 = arith.constant 1.000000e+00 : f32
      %sub3A_81 = vector.broadcast %sub3A_80 : f32 to vector<16xf32>
      %sub3A_82 = arith.subf %neg3A_79, %sub3A_81 : vector<16xf32>
      %max3A_83 = arith.constant 0.000000e+00 : f32
      %max3A_84 = vector.broadcast %max3A_83 : f32 to vector<16xf32>
      %max3A_85 = arith.maximumf %sub3A_82, %max3A_84 : vector<16xf32>
      %add3A_86 = arith.addf %max3A_77, %max3A_85 : vector<16xf32>
      %ne3A = arith.cmpi ne, %shift_right_logical3A_68, %and3A_71 : vector<16xi32>
      %jit3A = arith.constant 1.000000e+00 : f32
      %jit3A_87 = arith.constant 0.000000e+00 : f32
      %broadcast_in_dim3A_88 = vector.broadcast %jit3A : f32 to vector<16xf32>
      %broadcast_in_dim3A_89 = vector.broadcast %jit3A_87 : f32 to vector<16xf32>
      %select_n3A = arith.select %ne3A, %broadcast_in_dim3A_88, %broadcast_in_dim3A_89 : vector<16xi1>, vector<16xf32>
      %mul3A = arith.mulf %add3A_86, %select_n3A : vector<16xf32>
      %reduce_sum3A_90 = arith.constant true
      %reduce_sum3A_91 = vector.broadcast %reduce_sum3A_90 : i1 to vector<16xi1>
      %reduce_sum3A_92 = tpu.scan <sum>, %mul3A masked %reduce_sum3A_91 : vector<16xf32>, vector<16xi1> -> vector<16xf32>
      %reduce_sum3A_93 = vector.extract %reduce_sum3A_92[15] : f32 from vector<16xf32>
      %reduce_sum3A_94 = arith.constant true
      %reduce_sum3A_95 = vector.broadcast %reduce_sum3A_94 : i1 to vector<16xi1>
      %reduce_sum3A_96 = tpu.scan <sum>, %select_n3A masked %reduce_sum3A_95 : vector<16xf32>, vector<16xi1> -> vector<16xf32>
      %reduce_sum3A_97 = vector.extract %reduce_sum3A_96[15] : f32 from vector<16xf32>
      %add3A_98 = arith.addf %reduce_sum3A_61, %reduce_sum3A_93 : f32
      %broadcast_in_dim3A_99 = vector.broadcast %add3A_98 : f32 to vector<16xf32>
      %add3A_100 = arith.constant 1.600000e+05 : f32
      %add3A_101 = arith.addf %add3A_100, %reduce_sum3A_97 : f32
      %broadcast_in_dim3A_102 = vector.broadcast %add3A_101 : f32 to vector<16xf32>
      %div3A = arith.divf %broadcast_in_dim3A_99, %broadcast_in_dim3A_102 : vector<16xf32>
      %swap3A = arith.constant 0 : index
      %swap3A_103 = tpu.vector_load %arg8[%swap3A] {strides = array<i32>} : memref<16xf32, #tpu.memory_space<vmem>>, vector<16xf32>,
      tpu.vector_store %arg8[%swap3A], %div3A {strides = array<i32>} : memref<16xf32, #tpu.memory_space<vmem>>, vector<16xf32>,
      "tpu.region"() ({
        %run_scoped3A = tpu.sem_alloc : memref<!tpu.dma_semaphore, #tpu.memory_space<semaphore_mem>>
        tpu.enqueue_dma source(%arg8 : memref<16xf32, #tpu.memory_space<vmem>>) target(%arg4 : memref<16xf32, #tpu.memory_space<hbm>>) target_semaphore(%run_scoped3A : memref<!tpu.dma_semaphore, #tpu.memory_space<semaphore_mem>>)
        tpu.wait_dma2 semaphore(%run_scoped3A : memref<!tpu.dma_semaphore, #tpu.memory_space<semaphore_mem>>) src(%arg8 : memref<16xf32, #tpu.memory_space<vmem>>) dst(%arg4 : memref<16xf32, #tpu.memory_space<hbm>>)
        tpu.yield
      }) : () -> ()
    } else {
    }
    return
  }
}

module attributes {stable_mosaic.version = 14 : i64} {
  func.func @_rowsum_body(%arg0: i32, %arg1: memref<1000x256xf32, #tpu.memory_space<vmem>>, %arg2: memref<1000x1xf32, #tpu.memory_space<vmem>>) attributes {dimension_semantics = [#tpu.dimension_semantics<arbitrary>], iteration_bounds = array<i64: 10>, scalar_prefetch = 0 : i64, scratch_operands = 0 : i64, tpu.core_type = #tpu.core_type<tc>, window_params = [{transform_indices = @transform_0, window_bounds = array<i64: 1000, 256>}, {transform_indices = @transform_1, window_bounds = array<i64: 1000, 1>}]} {
    %get3A = arith.constant 0 : index
    %get3A_0 = arith.constant 0 : index
    %get3A_1 = vector.load %arg1[%get3A, %get3A_0] : memref<1000x256xf32, #tpu.memory_space<vmem>>, vector<1000x256xf32>
    %reduce_sum3A = arith.constant dense<0.000000e+00> : vector<1000xf32>
    %reduce_sum3A_2 = vector.multi_reduction <add>, %get3A_1, %reduce_sum3A [1] : vector<1000x256xf32> to vector<1000xf32>
    %broadcast_in_dim3A = vector.shape_cast %reduce_sum3A_2 : vector<1000xf32> to vector<1000x1xf32>
    %swap3A = arith.constant 0 : index
    %swap3A_3 = arith.constant 0 : index
    %swap3A_4 = vector.load %arg2[%swap3A, %swap3A_3] : memref<1000x1xf32, #tpu.memory_space<vmem>>, vector<1000x1xf32>
    tpu.vector_store %arg2[%swap3A, %swap3A_3], %broadcast_in_dim3A {strides = array<i32>} : memref<1000x1xf32, #tpu.memory_space<vmem>>, vector<1000x1xf32>,
    return
  }
  func.func @transform_0(%arg0: i32) -> (i32, i32) {
    %c0_i32 = arith.constant 0 : i32
    %c0_i32_0 = arith.constant 0 : i32
    return %arg0, %c0_i32 : i32, i32
  }
  func.func @transform_1(%arg0: i32) -> (i32, i32) {
    %c0_i32 = arith.constant 0 : i32
    %c0_i32_0 = arith.constant 0 : i32
    return %arg0, %c0_i32 : i32, i32
  }
}

</mosaic_0001>

<sc_bundles>
// kernel: kernel.4.cloned.1.call-start
scs
__scs_entry_jumppad:
0x0: {  	(pc) =	sbr.rel $0x88, $3  }
0x1: {  	(tag) =	ssettag $0x0;
	lr =	simm.s32 $0x1  }
0x2: {  	[smem:$0x3F9E] =	sst lr;
	_ =	strace $0xD0000000  }
0x3: {  	_ = 	snop  }
0x4: {  	_ = 	snop  }
0x5: {  	_ = 	snop  }
0x6: {  	_ = 	snop  }
0x7: {  	_ = 	snop  }
__scs_overlays_trampoline_lowered:
0x8: {  	[smem:$0x3FAD] =	sst s0  }
0x9: {  	[smem:$0x3FAE] =	sst s1  }
0xa: {  	[smem:$0x3FAF] =	sst s2  }
0xb: {  	[smem:$0x3FB0] =	sst s3  }
0xc: {  	[smem:$0x3FB1] =	sst s4  }
0xd: {  	[smem:$0x3FB2] =	sst s5  }
0xe: {  	[smem:$0x3FB3] =	sst s6  }
0xf: {  	[smem:$0x3FB4] =	sst s7  }
0x10: {  	[smem:$0x3FB5] =	sst s8  }
0x11: {  	[smem:$0x3FB6] =	sst s9;
	s0 =	simm.s32 @!p0 $0x0  }
0x12: {  	s1 =	sld [smem:$0x3F9C];
	s0 =	simm.s32 @p0 $0x1  }
0x13: {  	[smem:$0x3FB7] =	sst s0;
	s0 =	simm.s32 @!p1 $0x0  }
0x14: {  	s2 =	sld [smem:$0x3F9B];
	s0 =	simm.s32 @p1 $0x1  }
0x15: {  	[smem:$0x3FB8] =	sst s0;
	s0 =	simm.s32 @!p2 $0x0  }
0x16: {  	s3 =	sld [smem:$0x3FDB];
	s0 =	simm.s32 @p2 $0x1  }
0x17: {  	s4 =	simm.s32 $0x1BF5;
	[smem:$0x3FBA] =	sst s0  }
0x18: {  	s0 =	sld [smem:$0x3F9D];
	_ =	swait.ge [sflag:s4], $0x0  }
0x19: {  	s7 =	sld [smem:$0x3F9E]  }
0x1a: {  	s8 =	sadd.s32 $0xFFFFE003, lr  }
0x1b: {  	s9 =	sadd.s32 $0xFFFFFEF7, lr;
	s5 =	simm.s32 $0xFFFFFFFF;
	p2 =	slt.u32 s8, $0xFFFFF086  }
0x1c: {  	p1 =	slt.u32 s9, $0xF7A;
	s5 =	simm.s32 @!p2 $0x0  }
0x1d: {  	s5 =	simm.s32 @p1 $0x1;
	p0 =	seq.s32 s7, s2  }
0x1e: {  	s7 =	smul.u32 @!p0 $0xF7A, s2;
	p2 =	seq.s32 @!p0 s5, $0x0  }
0x1f: {  	s9 =	smul.u32 $0xF7A, s1;
	s8 =	simm.s32 @!p0 $0x1BF5;
	p2 =	por !p2, p0  }
0x20: {  	[sflag:s8] =	ssyncset.s32 @!p0 $0xFFFFF086;
	s6 =	sadd.s32 @!p0 s3, s7;
	s7 =	simm.s32 @!p0 $0x108  }
0x21: {  	s3 =	sadd.s32 s3, s9;
	s6 =	sadd.s32 @!p0 $0x88, s6;
	s7 =	simm.s32 @p2 $0x1082  }
0x22: {  	[simem:s7], [sflag:s8] =	dma.local @!p0 [hbm:s6], $0xF7A  }
0x23: {  	s9 =	sor.u32 $0xD0000000, s2;
	s6 =	simm.s32 $0x108;
	_ =	swait.ge @!p0 [sflag:s8], $0x0  }
0x24: {  	s3 =	sadd.s32 $0x88, s3;
	s6 =	simm.s32 @!p1 $0x1082;
	[sflag:s4] =	ssyncset.s32 $0xFFFFF086  }
0x25: {  	[simem:s6], [sflag:s4] =	dma.local [hbm:s3], $0xF7A  }
0x26: {  	[smem:$0x3F9E] =	sst s1;
	(tag) =	ssettag s2;
	_ =	strace s9  }
0x27: {  	s1 =	sld [smem:$0x3FAE]  }
0x28: {  	s2 =	sld [smem:$0x3FAF]  }
0x29: {  	s4 =	sld [smem:$0x3FB1]  }
0x2a: {  	p0 =	seq.s32 s5, $0x0;
	s5 =	sld [smem:$0x3FB2]  }
0x2b: {  	s6 =	sld [smem:$0x3FB3]  }
0x2c: {  	s7 =	sld [smem:$0x3FB4]  }
0x2d: {  	s3 =	simm.s32 $0x108;
	s8 =	sld [smem:$0x3FB5]  }
0x2e: {  	s3 =	simm.s32 @!p0 $0x1082;
	s9 =	sld [smem:$0x3FB6]  }
0x2f: {  	lr =	sadd.s32 s0, s3;
	s0 =	sld [smem:$0x3FAD]  }
0x30: {  	s3 =	sld [smem:$0x3FB0]  }
0x31: {  	[smem:$0x3FB9] =	sst s10  }
0x32: {  	s10 =	sld [smem:$0x3FB7];
	_ =	sdelay $0x3  }
0x33: {  	p0 =	seq.s32 s10, $0x1;
	s10 =	sld [smem:$0x3FB9];
	_ =	sdelay $0x3  }
0x34: {  	[smem:$0x3FB9] =	sst s10  }
0x35: {  	s10 =	sld [smem:$0x3FB8];
	_ =	sdelay $0x3  }
0x36: {  	p1 =	seq.s32 s10, $0x1;
	s10 =	sld [smem:$0x3FB9];
	_ =	sdelay $0x3  }
0x37: {  	[smem:$0x3FB9] =	sst s10  }
0x38: {  	s10 =	sld [smem:$0x3FBA]  }
0x39: {  	_ = 	snop;
	(pc) =	sbr.ind lr, $3  }
0x3a: {  	_ = 	snop  }
0x3b: {  	_ = 	snop  }
0x3c: {  	p2 =	seq.s32 s10, $0x1;
	s10 =	sld [smem:$0x3FB9]  }
0x3d: {  	_ =	shalt  }
0x3e: {  	_ =	shalt  }
0x3f: {  	_ =	shalt  }
0x40: {  	_ =	shalt  }
0x41: {  	_ =	shalt  }
0x42: {  	_ =	shalt  }
0x43: {  	_ =	shalt  }
0x44: {  	_ =	shalt  }
0x45: {  	_ =	shalt  }
0x46: {  	_ =	shalt  }
0x47: {  	_ =	shalt  }
0x48: {  	_ =	shalt  }
0x49: {  	_ =	shalt  }
0x4a: {  	_ =	shalt  }
0x4b: {  	_ =	shalt  }
0x4c: {  	_ =	shalt  }
0x4d: {  	_ =	shalt  }
0x4e: {  	_ =	shalt  }
0x4f: {  	_ =	shalt  }
0x50: {  	_ =	shalt  }
0x51: {  	_ =	shalt  }
0x52: {  	_ =	shalt  }
0x53: {  	_ =	shalt  }
0x54: {  	_ =	shalt  }
0x55: {  	_ =	shalt  }
0x56: {  	_ =	shalt  }
0x57: {  	_ =	shalt  }
0x58: {  	_ =	shalt  }
0x59: {  	_ =	shalt  }
0x5a: {  	_ =	shalt  }
0x5b: {  	_ =	shalt  }
0x5c: {  	_ =	shalt  }
0x5d: {  	_ =	shalt  }
0x5e: {  	_ =	shalt  }
0x5f: {  	_ =	shalt  }
0x60: {  	_ =	shalt  }
0x61: {  	_ =	shalt  }
0x62: {  	_ =	shalt  }
0x63: {  	_ =	shalt  }
0x64: {  	_ =	shalt  }
0x65: {  	_ =	shalt  }
0x66: {  	_ =	shalt  }
0x67: {  	_ =	shalt  }
0x68: {  	_ =	shalt  }
0x69: {  	_ =	shalt  }
0x6a: {  	_ =	shalt  }
0x6b: {  	_ =	shalt  }
0x6c: {  	_ =	shalt  }
0x6d: {  	_ =	shalt  }
0x6e: {  	_ =	shalt  }
0x6f: {  	_ =	shalt  }
0x70: {  	_ =	shalt  }
0x71: {  	_ =	shalt  }
0x72: {  	_ =	shalt  }
0x73: {  	_ =	shalt  }
0x74: {  	_ =	shalt  }
0x75: {  	_ =	shalt  }
0x76: {  	_ =	shalt  }
0x77: {  	_ =	shalt  }
0x78: {  	_ =	shalt  }
0x79: {  	_ =	shalt  }
0x7a: {  	_ =	shalt  }
0x7b: {  	_ =	shalt  }
0x7c: {  	_ =	shalt  }
0x7d: {  	_ =	shalt  }
0x7e: {  	_ =	shalt  }
0x7f: {  	_ =	shalt  }
0x80: {  	_ =	shalt  }
0x81: {  	_ =	shalt  }
0x82: {  	_ =	shalt  }
0x83: {  	_ =	shalt  }
0x84: {  	_ =	shalt  }
0x85: {  	_ =	shalt  }
0x86: {  	_ =	shalt  }
0x87: {  	_ =	shalt  }
.Lfunc_end0:
.L_simem_size_0:
called_computation_lowered:
.L_overlay_start_0:
0x88: {  	s2 =	sld [smem:$0x3FD9]  }
0x89: {  	s3 =	sld [smem:$0x3FFE];
	_ =	sdelay $0x1  }
0x8a: {  	s1 =	srdreg.scid  }
0x8b: {  	s0 =	sand.u32 $0x1, s1  }
0x8c: {  	s17 =	sshll.u32 s0, $0xA;
	s2 =	sadd.s32 s3, s2  }
0x8d: {  	s2 =	sadd.s32 s2, s17  }
0x8e: {  	[smem:$0x3FC5] =	sst s2  }
0x8f: {  	_ = 	snop  }
0x90: {  	s2 =	sld [smem:$0x3FD0];
	(tm) =	ssettm $0x1  }
0x91: {  	s18 =	sld [smem:$0x3FFB];
	_ =	sdelay $0x3  }
0x92: {  	_ =	strace s18  }
0x93: {  	s3 =	sld [smem:$0x3FFC];
	_ =	sdelay $0x3  }
0x94: {  	_ =	strace s3  }
0x95: {  	s3 =	sld [smem:$0x3FFD];
	_ =	sdelay $0x3  }
0x96: {  	_ =	strace s3  }
0x97: {  	_ =	strace $0x8FFFFFFF  }
0x98: {  	s19 =	sld [smem:$0x3FDB];
	_ =	sdelay $0x1  }
0x99: {  	s4 =	simm.s32 $_scs_section_size  }
0x9a: {  	s5 =	simm.s32 $_size__tile_overlayer_lowered;
	s6 =	simm.s32 $_tile_overlayer_lowered  }
0x9b: {  	s22 =	simm.s32 $0x1BFF;
	s21 =	sshll.u32 s6, $0x1;
	s3 =	sadd.s32 s4, s19  }
0x9c: {  	s7 =	simm.s32 $0x0;
	s20 =	sshll.u32 s5, $0x1;
	s5 =	sadd.s32 s21, s3  }
0x9d: {  	[timem:s7], [sflag:s22] =	dma.local [hbm:s5], s20  }
0x9e: {  	_ =	swait.ge [sflag:s22], s20  }
0x9f: {  	s4 =	ssub.s32 $0x0, s20;
	[sflag:s22] =	ssyncset.done $0x0  }
0xa0: {  	[sflag:s22] =	ssyncadd.s32 s4;
	_ =	sdelay $0x1  }
0xa1: {  	s23 =	simm.s32 $0x1B8B  }
0xa2: {  	_ =	swait.ge [sflag:s23], $0x1  }
0xa3: {  	[sflag:s23] =	ssyncset.done $0x0  }
0xa4: {  	s25 =	simm.s32 $0x1B8E;
	s24 =	sld [smem:$0x3FFE];
	[sflag:s23] =	ssyncadd.s32 $0xFFFFFFFF  }
0xa5: {  	s26 =	simm.s32 $execute0_lowered;
	[smem:$0x3FD2] =	sst s25  }
0xa6: {  	s5 =	sshll.u32 s26, $0x1;
	_ =	strace $0x80000046;
	[dreg:$0x1] =	wrdreg $0xFFFFFFFF  }
0xa7: {  	s28 =	simm.s32 $_size_execute0_lowered;
	s3 =	sadd.s32 s3, s5;
	[dreg:$0x0] =	wrdreg $0x0  }
0xa8: {  	s5 =	sshll.u32 s28, $0x1;
	[dreg:$0x2] =	wrdreg s3  }
0xa9: {  	[dreg:$0x3] =	wrdreg s5  }
0xaa: {  	[dreg:$0x4] =	wrdreg $0xC0  }
0xab: {  	_ =	task [dreg:s7], $0x5FFFF  }
0xac: {  	[dreg:$0x1] =	wrdreg $0xFFFFFFFF  }
0xad: {  	[dreg:$0x0] =	wrdreg $0x60  }
0xae: {  	[dreg:$0x2] =	wrdreg s24  }
0xaf: {  	[dreg:$0x3] =	wrdreg s2  }
0xb0: {  	[dreg:$0x4] =	wrdreg $0x51000  }
0xb1: {  	[dreg:$0x5] =	wrdreg $0x9  }
0xb2: {  	_ =	task.clear_ibuf [dreg:s7], $0x6FFFF;
	_ =	strace $0x90000046  }
0xb3: {  	s29 =	simm.s32 $0x9;
	_ =	strace $0x80000048  }
0xb4: {  	_ =	swait.ge [sflag:s29], $0x1  }
0xb5: {  	[sflag:s29] =	ssyncadd.s32 $0xFFFFFFFF  }
0xb6: {  	_ =	strace $0x90000048  }
0xb7: {  	_ =	sfence  }
0xb8: {  	s30 =	sld [smem:$0x0];
	_ =	sdelay $0x2  }
0xb9: {  	s31 =	sshll.u32 s1, $0xD;
	s1 =	sshrl.u32 s1, $0x2  }
0xba: {  	s3 =	sand.u32 $0x4000, s31;
	s1 =	sadd.s32 s1, s30  }
0xbb: {  	s0 =	sor.u32 s3, s0;
	s1 =	sshll.u32 s1, $0x11  }
0xbc: {  	s0 =	sor.u32 s1, s0  }
0xbd: {  	s0 =	sadd.s32 $0x8F2B, s0  }
0xbe: {  	[sflag:s0] =	ssyncadd.remote.s32 $0x1  }
0xbf: {  	_ =	sfence.sel $0xFFFF  }
0xc0: {  	[dreg:$0x0] =	wrdreg $0xFFFFFFFF;
	(pc) =	sbr.abs _section_cstart, $3  }
0xc1: {  	[dreg:$0x1] =	wrdreg $0xFFFFFFFF  }
0xc2: {  	_ =	task.clear_ibuf [dreg:s7], $0x2FFFF;
	_ =	strace $0x9FFFFFFF  }
0xc3: {  	(tm) =	ssettm $0x7FFFFFFF  }
tec
execute0_lowered:
.L_overlay_start_1:
0x0: {  	(tag) =	ssettag $0x1  }
0x1: {  	s1 =	rddreg [dreg:$0x0]  }
0x2: {  	s2 =	rddreg [dreg:$0x1]  }
0x3: {  	s4 =	rddreg [dreg:$0x2]  }
0x4: {  	s0 =	rddreg [dreg:$0x3];
	s6 =	srdreg.scid  }
0x5: {  	s5 =	simm.s32 $0x0;
	s3 =	stileid.u32;
	s11 =	simm.s32 $0x1  }
0x6: {  	s12 =	simm.s32 $0x2;
	s13 =	simm.s32 $0x4F80;
	s14 =	simm.s32 $0x3  }
0x7: {  	s16 =	simm.s32 $0x5000;
	s17 =	simm.s32 $0x0;
	s10 =	sand.u32 $0x1, s6  }
0x8: {  	[smem:$0x7FF] =	sst s5;
	s30 =	smul.u32 $0x4E2, s3;
	s31 =	sshll.u32 s3, $0x4  }
.Ltmp0:
0x9: {  	s7 =	ssub.s32 $0x2, s10;
	_ =	strace $0x80000047;
	(pc) =	sbr.rel .LBB2_1-.Ltmp0, $4  }
0xa: {  	s15 =	sor.u32 s3, s10;
	p0 =	sne.s32 s10, $0x0;
	s10 =	simm.s32 $0x2780  }
0xb: {  	s8 =	sshrl.u32 s7, $0x1;
	s6 =	sadd.s32 s30, s1;
	p1 =	sne.s32 s15, $0x0  }
0xc: {  	s15 =	simm.s32 $0x4F00;
	s9 =	ssub.s32 s7, s8;
	s6 =	sadd.s32 $0x600, s6  }
0xd: {  	v0 =	vimm.f32 $1.000000000e+00;
	s7 =	sadd.s32 s31, s4;
	s8 =	sadd.s32 $0x5420, s1;
	s9 =	smax.u32 s9, $0x1  }
.LBB2_4:
0xe: {  	_ =	sdelay $0x3  }
0xf: {  	v13 =	vld.idx.msk [tilespmem:v13+s5+$0x0], $0xffff  }
0x10: {  	v3 =	vand.u32 $0xFFFF, v3;
	v12 =	vld.idx.msk [tilespmem:v12+s5+$0x0], $0xffff  }
0x11: {  	v9 =	vsub.f32 $1.000000000e+00, v9;
	v14 =	vld.idx.msk [tilespmem:v14+s5+$0x0], $0xffff;
	v15 =	vshrl.u32 v4, $0x10  }
0x12: {  	v45 =	vand.u32 $0xFFFF, v4;
	v46 =	vld [tilespmem:s18+$0x27B0];
	v8 =	vsub.f32 $1.000000000e+00, v8  }
0x13: {  	v11 =	vld.idx.msk [tilespmem:v11+s5+$0x0], $0xffff;
	v16 =	vshrl.u32 v1, $0x10;
	v7 =	vadd.f32 v7, v9  }
0x14: {  	v17 =	vld [tilespmem:s18+$0x27C0];
	v1 =	vand.u32 $0xFFFF, v1;
	v6 =	vadd.f32 v6, v8  }
0x15: {  	v47 =	vsub.f32 $1.000000000e+00, v10;
	v48 =	vshrl.u32 v2, $0x10;
	v7 =	vmax.f32 v7, $0.0e+00;
	v3 =	vld.idx.msk [tilespmem:v3+s5+$0x0], $0xffff  }
0x16: {  	v2 =	vand.u32 $0xFFFF, v2;
	v6 =	vmax.f32 v6, $0.0e+00;
	v5 =	vadd.f32 v7, v5;
	v50 =	vld.idx.msk [tilespmem:v15+s5+$0x0], $0xffff  }
0x17: {  	v49 =	vsub.f32 $1.000000000e+00, v12;
	v8 =	vadd.f32 v13, v47;
	v4 =	vld.idx.msk [tilespmem:v45+s5+$0x0], $0xffff;
	v51 =	vshrl.u32 v46, $0x10  }
0x18: {  	v53 =	vld.idx.msk [tilespmem:v16+s5+$0x0], $0xffff;
	v9 =	vand.u32 $0xFFFF, v46;
	v11 =	vsub.f32 $1.000000000e+00, v11;
	v5 =	vadd.f32 v6, v5  }
0x19: {  	v1 =	vld.idx.msk [tilespmem:v1+s5+$0x0], $0xffff;
	v54 =	vshrl.u32 v17, $0x10;
	v52 =	vadd.f32 v14, v49;
	v8 =	vmax.f32 v8, $0.0e+00  }
0x1a: {  	v55 =	vld.idx.msk [tilespmem:v48+s5+$0x0], $0xffff;
	v56 =	vand.u32 $0xFFFF, v17;
	v5 =	vadd.f32 v8, v5  }
0x1b: {  	v2 =	vld.idx.msk [tilespmem:v2+s5+$0x0], $0xffff;
	v6 =	vmax.f32 v52, $0.0e+00;
	v3 =	vadd.f32 v3, v11;
	v57 =	vsub.f32 $1.000000000e+00, v50  }
0x1c: {  	v58 =	vld.idx.msk [tilespmem:v51+s5+$0x0], $0xffff;
	v5 =	vadd.f32 v6, v5  }
0x1d: {  	v9 =	vld.idx.msk [tilespmem:v9+s5+$0x0], $0xffff;
	v7 =	vsub.f32 $1.000000000e+00, v53;
	v3 =	vmax.f32 v3, $0.0e+00;
	v4 =	vadd.f32 v4, v57  }
0x1e: {  	v59 =	vld.idx.msk [tilespmem:v54+s5+$0x0], $0xffff;
	v3 =	vadd.f32 v3, v5  }
0x1f: {  	v60 =	vsub.f32 $1.000000000e+00, v55;
	v1 =	vadd.f32 v1, v7;
	v4 =	vmax.f32 v4, $0.0e+00  }
0x20: {  	v61 =	vld.idx.msk [tilespmem:v56+s5+$0x0], $0xffff;
	v3 =	vadd.f32 v4, v3  }
0x21: {  	v2 =	vadd.f32 v2, v60;
	v1 =	vmax.f32 v1, $0.0e+00;
	v62 =	vsub.f32 $1.000000000e+00, v58  }
0x22: {  	v1 =	vadd.f32 v1, v3  }
0x23: {  	v2 =	vmax.f32 v2, $0.0e+00;
	v63 =	vsub.f32 $1.000000000e+00, v59;
	v3 =	vadd.f32 v9, v62  }
0x24: {  	v1 =	vadd.f32 v2, v1  }
0x25: {  	v2 =	vmax.f32 v3, $0.0e+00;
	v3 =	vadd.f32 v61, v63  }
0x26: {  	v1 =	vadd.f32 v2, v1  }
0x27: {  	v2 =	vmax.f32 v3, $0.0e+00  }
0x28: {  	v1 =	vadd.f32 v2, v1;
	_ =	sdelay $0x1  }
0x29: {  	[tilespmem:$0x4F80] =	vst v1  }
0x2a: {  	[spmem:s7] =	stream.linear.scatter [tilespmem:s13], [sflag:$0x3], $0x10, $0x38;
	[tilespmem:$0x5110] =	vst v63  }
0x2b: {  	_ =	swait.ge [sflag:s14], $0x10  }
0x2c: {  	[sflag:s14] =	ssyncset.done $0x0  }
0x2d: {  	[sflag:s14] =	ssyncadd.s32 $0xFFFFFFF0  }
.LBB2_5:
.Ltmp1:
0x2e: {  	(pc) =	sbr.rel @!p1 .LBB2_6-.Ltmp1, $2  }
0x2f: {  	_ =	sdelay $0x1  }
0x30: {  	[bflag:$0x0] =	sbarrier.arrive $0xFFFF;
	_ =	sdelay $0x1  }
.LBB2_7:
0x31: {  	s17 =	sadd.s32 $0x1, s17  }
0x32: {  	p2 =	sne.s32 s17, s9  }
.Ltmp2:
0x33: {  	_ = 	snop;
	(pc) =	sbr.rel @!p2 .LBB2_8-.Ltmp2, $1  }
0x34: {  	_ =	sdelay $0x3  }
.LBB2_1:
.Ltmp3:
0x35: {  	(pc) =	sbr.rel @p0 .LBB2_5-.Ltmp3, $1  }
0x36: {  	_ =	sdelay $0x3  }
0x37: {  	s18 =	simm.s32 $0x0  }
0x38: {  	[tilespmem:s18], [sflag:$0x1] =	stream.linear.gather [hbm4b:s1+s18], $0x2780, $0x38;
	[tilespmem:$0x5110] =	vst v63  }
0x39: {  	_ = 	snop  }
0x3a: {  	[tilespmem:s10], [sflag:$0x2] =	stream.linear.gather [hbm4b:s6+s18], $0x2710, $0x38;
	[tilespmem:$0x5110] =	vst v63  }
0x3b: {  	_ =	swait.ge [sflag:s11], $0x2780  }
0x3c: {  	[sflag:s11] =	ssyncset.done $0x0  }
0x3d: {  	[sflag:s11] =	ssyncadd.s32 $0xFFFFD880  }
0x3e: {  	_ =	swait.ge [sflag:s12], $0x2710  }
0x3f: {  	[sflag:s12] =	ssyncset.done $0x0  }
0x40: {  	s19 =	simm.s32 $0x0;
	[sflag:s12] =	ssyncadd.s32 $0xFFFFD8F0  }
0x41: {  	v1 =	vld [tilespmem:s19+$0x2780];
	_ =	sdelay $0x1  }
0x42: {  	v4 =	vld [tilespmem:s19+$0x2790];
	_ =	sdelay $0x1  }
0x43: {  	v6 =	vld [tilespmem:s19+$0x27A0]  }
0x44: {  	v3 =	vld [tilespmem:s19+$0x27C0];
	v5 =	vshrl.u32 v1, $0x10  }
0x45: {  	s18 =	simm.s32 $0x50;
	v10 =	vld [tilespmem:s19+$0x27B0];
	v7 =	vand.u32 $0xFFFF, v1  }
0x46: {  	v2 =	vld [tilespmem:s18+$0x27A0];
	v8 =	vshrl.u32 v4, $0x10  }
0x47: {  	v1 =	vld [tilespmem:s18+$0x2790];
	v11 =	vand.u32 $0xFFFF, v4  }
0x48: {  	v15 =	vshrl.u32 v6, $0x10;
	v4 =	vld [tilespmem:s18+$0x2780]  }
0x49: {  	v13 =	vand.u32 $0xFFFF, v6;
	v9 =	vld.idx.msk [tilespmem:v5+s5+$0x0], $0xffff  }
0x4a: {  	v12 =	vshrl.u32 v10, $0x10;
	v7 =	vld.idx.msk [tilespmem:v7+s5+$0x0], $0xffff  }
0x4b: {  	v14 =	vand.u32 $0xFFFF, v10;
	v8 =	vld.idx.msk [tilespmem:v8+s5+$0x0], $0xffff  }
0x4c: {  	v6 =	vld.idx.msk [tilespmem:v11+s5+$0x0], $0xffff;
	v11 =	vshrl.u32 v3, $0x10  }
0x4d: {  	s19 =	simm.s32 $0x280;
	v5 =	vimm.f32 $0.0e+00;
	v10 =	vld.idx.msk [tilespmem:v15+s5+$0x0], $0xffff  }
.LBB2_3:
0x4e: {  	p2 =	sne.s32 s19, $0x9B00;
	v13 =	vld.idx.msk [tilespmem:v13+s5+$0x0], $0xffff;
	v15 =	vand.u32 $0xFFFF, v3  }
0x4f: {  	v3 =	vsub.f32 $1.000000000e+00, v9;
	v9 =	vld.idx.msk [tilespmem:v12+s5+$0x0], $0xffff  }
0x50: {  	v12 =	vld.idx.msk [tilespmem:v14+s5+$0x0], $0xffff  }
0x51: {  	v8 =	vsub.f32 $1.000000000e+00, v8;
	v7 =	vadd.f32 v7, v3;
	v11 =	vld.idx.msk [tilespmem:v11+s5+$0x0], $0xffff  }
0x52: {  	v14 =	vshrl.u32 v4, $0x10;
	v3 =	vld [tilespmem:s18+$0x27C0]  }
0x53: {  	v6 =	vadd.f32 v6, v8;
	v8 =	vsub.f32 $1.000000000e+00, v10;
	v7 =	vmax.f32 v7, $0.0e+00;
	v10 =	vld.idx.msk [tilespmem:v15+s5+$0x0], $0xffff  }
0x54: {  	v16 =	vshrl.u32 v1, $0x10;
	v15 =	vand.u32 $0xFFFF, v4;
	v4 =	vadd.f32 v7, v5;
	v17 =	vld [tilespmem:s18+$0x27B0];
	s18 =	sshra.s32 s19, $0x2  }
0x55: {  	v6 =	vmax.f32 v6, $0.0e+00;
	v7 =	vadd.f32 v13, v8;
	v8 =	vsub.f32 $1.000000000e+00, v9;
	v5 =	vld [tilespmem:s18+$0x27A0]  }
0x56: {  	v18 =	vand.u32 $0xFFFF, v1;
	v19 =	vshrl.u32 v2, $0x10;
	v6 =	vadd.f32 v6, v4;
	v1 =	vld [tilespmem:s18+$0x2790]  }
0x57: {  	v7 =	vmax.f32 v7, $0.0e+00;
	v8 =	vadd.f32 v12, v8;
	v11 =	vsub.f32 $1.000000000e+00, v11;
	v4 =	vld [tilespmem:s18+$0x2780]  }
.Ltmp4:
0x58: {  	v13 =	vand.u32 $0xFFFF, v2;
	v20 =	vadd.f32 v7, v6;
	v9 =	vld.idx.msk [tilespmem:v14+s5+$0x0], $0xffff;
	(pc) =	sbr.rel @p2 .LBB2_3-.Ltmp4, $4  }
0x59: {  	v6 =	vmax.f32 v8, $0.0e+00;
	v10 =	vadd.f32 v10, v11;
	v7 =	vld.idx.msk [tilespmem:v15+s5+$0x0], $0xffff;
	v12 =	vshrl.u32 v17, $0x10  }
0x5a: {  	v14 =	vand.u32 $0xFFFF, v17;
	v15 =	vadd.f32 v6, v20;
	v8 =	vld.idx.msk [tilespmem:v16+s5+$0x0], $0xffff;
	v2 =	vmov v5  }
0x5b: {  	v11 =	vshrl.u32 v3, $0x10;
	v5 =	vmax.f32 v10, $0.0e+00;
	v6 =	vld.idx.msk [tilespmem:v18+s5+$0x0], $0xffff  }
0x5c: {  	s19 =	sadd.s32 $0x140, s19;
	v5 =	vadd.f32 v5, v15;
	v10 =	vld.idx.msk [tilespmem:v19+s5+$0x0], $0xffff  }
.Ltmp5:
0x5d: {  	_ = 	snop;
	(pc) =	sbr.rel .LBB2_4-.Ltmp5, $1  }
0x5e: {  	_ =	sdelay $0x3  }
.LBB2_6:
0x5f: {  	[tilespmem:s15], [sflag:$0x1] =	stream.linear.gather [hbm4b:s8+s5], $0x10, $0x38;
	[tilespmem:$0x5110] =	vst v63  }
0x60: {  	_ = 	snop  }
0x61: {  	[tilespmem:s16], [sflag:$0x3] =	stream.linear.gather [spmem:s4], $0x100, $0x38;
	[tilespmem:$0x5110] =	vst v63  }
0x62: {  	_ =	swait.ge [sflag:s14], $0x100  }
0x63: {  	[sflag:s14] =	ssyncset.done $0x0  }
0x64: {  	[sflag:s14] =	ssyncadd.s32 $0xFFFFFF00  }
0x65: {  	v1 =	vld [tilespmem:$0x5000];
	_ =	sdelay $0x1  }
0x66: {  	v2 =	vld [tilespmem:$0x5010];
	_ =	sdelay $0x1  }
0x67: {  	v3 =	vld [tilespmem:$0x5020]  }
0x68: {  	v1 =	vadd.f32 $0.0e+00, v1  }
0x69: {  	v4 =	vld [tilespmem:$0x5030]  }
0x6a: {  	v1 =	vadd.f32 v2, v1  }
0x6b: {  	v2 =	vld [tilespmem:$0x5040]  }
0x6c: {  	v1 =	vadd.f32 v3, v1  }
0x6d: {  	v3 =	vld [tilespmem:$0x5050]  }
0x6e: {  	v1 =	vadd.f32 v4, v1  }
0x6f: {  	v59 =	vld [tilespmem:$0x5060]  }
0x70: {  	v1 =	vadd.f32 v2, v1  }
0x71: {  	v2 =	vld [tilespmem:$0x5070]  }
0x72: {  	v1 =	vadd.f32 v3, v1  }
0x73: {  	v3 =	vld [tilespmem:$0x5080]  }
0x74: {  	v1 =	vadd.f32 v59, v1  }
0x75: {  	v60 =	vld [tilespmem:$0x5090]  }
0x76: {  	v1 =	vadd.f32 v2, v1  }
0x77: {  	v2 =	vld [tilespmem:$0x50A0]  }
0x78: {  	v1 =	vadd.f32 v3, v1  }
0x79: {  	v3 =	vld [tilespmem:$0x50B0]  }
0x7a: {  	v1 =	vadd.f32 v60, v1  }
0x7b: {  	v61 =	vld [tilespmem:$0x50C0]  }
0x7c: {  	v1 =	vadd.f32 v2, v1  }
0x7d: {  	v2 =	vld [tilespmem:$0x50D0]  }
0x7e: {  	v1 =	vadd.f32 v3, v1  }
0x7f: {  	v3 =	vld [tilespmem:$0x50E0]  }
0x80: {  	v1 =	vadd.f32 v61, v1  }
0x81: {  	v62 =	vld [tilespmem:$0x50F0]  }
0x82: {  	v1 =	vadd.f32 v2, v1;
	_ =	sdelay $0x1  }
0x83: {  	v1 =	vadd.f32 v3, v1;
	_ =	sdelay $0x1  }
0x84: {  	v1 =	vadd.f32 v62, v1;
	_ =	sdelay $0x1  }
0x85: {  	(xrf2) =	vadd.scan.msk.f32 $0xffff, v1;
	_ =	sdelay $0x9  }
0x86: {  	v1, _, _ =	vpop (xrf2)  }
0x87: {  	(v2sf) =	vpush v1, $0xF;
	_ =	sdelay $0xe  }
0x88: {  	s18 =	spop (v2sf)  }
0x89: {  	_ =	swait.ge [sflag:s11], $0x10  }
0x8a: {  	[sflag:s11] =	ssyncset.done $0x0  }
0x8b: {  	[sflag:s11] =	ssyncadd.s32 $0xFFFFFFF0  }
0x8c: {  	v1 =	vld [tilespmem:$0x4F00];
	_ =	sdelay $0x4  }
0x8d: {  	v2 =	vshrl.u32 v1, $0x10  }
0x8e: {  	v1 =	vand.u32 $0xFFFF, v1;
	_ =	sdelay $0x3  }
0x8f: {  	v3 =	vld.idx.msk [tilespmem:v2+s5+$0x0], $0xffff  }
0x90: {  	v63 =	vld.idx.msk [tilespmem:v1+s5+$0x0], $0xffff;
	_ =	sdelay $0x4  }
0x91: {  	v3 =	vsub.f32 v3, v63;
	_ =	sdelay $0x1  }
0x92: {  	v4 =	vadd.f32 $-1.000000000e+00, v3;
	v3 =	vsub.f32 $-1.000000000e+00, v3;
	_ =	sdelay $0x1  }
0x93: {  	v4 =	vmax.f32 v4, $0.0e+00;
	v3 =	vmax.f32 v3, $0.0e+00  }
0x94: {  	vm0 =	veq.s32 v2, v1;
	v3 =	vadd.f32 v3, v4  }
0x95: {  	v1 =	vsel vm0, $0x0, v0  }
0x96: {  	v2 =	vmul.f32 v3, v1;
	_ =	sdelay $0x1  }
0x97: {  	(xrf2) =	vadd.scan.msk.f32 $0xffff, v2  }
0x98: {  	(xrf2) =	vadd.scan.msk.f32 $0xffff, v1;
	_ =	sdelay $0x8  }
0x99: {  	v1, _, _ =	vpop (xrf2)  }
0x9a: {  	(v2sf) =	vpush v1, $0xF;
	v1, _, _ =	vpop (xrf2)  }
0x9b: {  	(v2sf) =	vpush v1, $0xF;
	_ =	sdelay $0xd  }
0x9c: {  	s19 =	spop (v2sf)  }
0x9d: {  	s20 =	spop (v2sf)  }
0x9e: {  	s20 =	sadd.f32 $1.600000000e+05, s20;
	_ =	sdelay $0x1  }
0x9f: {  	v1 =	vmov s20  }
0xa0: {  	(erf) = vrcp.f32 v1;
	_ =	sdelay $0x7  }
0xa1: {  	s18 =	sadd.f32 s19, s18  }
0xa2: {  	v1 =	vpop (erf)  }
0xa3: {  	v1 =	vmul.f32 s18, v1;
	_ =	sdelay $0x1  }
.Ltmp6:
0xa4: {  	[tilespmem:$0x4F80] =	vst v1;
	(pc) =	sbr.rel .LBB2_7-.Ltmp6, $4  }
0xa5: {  	[hbm4b:s2+s5] =	stream.linear.scatter [tilespmem:s13], [sflag:$0x3], $0x80, $0x38;
	[tilespmem:$0x5110] =	vst v63  }
0xa6: {  	_ =	swait.ge [sflag:s14], $0x80  }
0xa7: {  	[sflag:s14] =	ssyncset.done $0x0  }
0xa8: {  	[sflag:s14] =	ssyncadd.s32 $0xFFFFFF80  }
.LBB2_8:
0xa9: {  	_ =	sfence.sel $0x180000  }
0xaa: {  	[bflag:$0x0] =	sbarrier.arrive $0xFFFF  }
0xab: {  	p0 =	sne.s32 s3, $0x0;
	_ =	strace $0x90000047  }
0xac: {  	s0 =	sadd.s32 @!p0 $0x100000, s0;
	[bflag:$0x2] =	sbarrier.arrive $0xFFFF  }
0xad: {  	[sflag:s0] =	ssyncadd.tile.s32 @!p0 $0x1;
	_ =	shalt  }
.Lfunc_end2:
_tile_overlayer_lowered:
.L_overlay_start_2:
0xae: {  	(tag) =	ssettag $0x2  }
0xaf: {  	s0 =	rddreg [dreg:$0x0];
	s2 =	stileid.u32  }
0xb0: {  	s1 =	rddreg [dreg:$0x1];
	p0 =	sne.s32 s2, $0x0  }
0xb1: {  	s3 =	rddreg [dreg:$0x2];
	[bflag:$0x3] =	sbarrier.arrive $0xFFFF;
	s2 =	simm.s32 @!p0 $0x1C03  }
0xb2: {  	[timem:s3], [sflag:s2] =	dma.local @!p0 [hbm:s0], s1  }
0xb3: {  	s0 =	simm.s32 @!p0 $0x3  }
0xb4: {  	_ =	swait.ge @!p0 [sflag:s0], s1  }
0xb5: {  	s1 =	ssub.s32 @!p0 $0x0, s1;
	[sflag:s0] =	ssyncset.done @!p0 $0x0  }
0xb6: {  	[sflag:s0] =	ssyncadd.s32 @!p0 s1  }
0xb7: {  	[bflag:$0x3] =	sbarrier.arrive $0xFFFF  }
0xb8: {  	_ =	shalt  }

</sc_bundles>
